<compile_context>
chip_gen: v7x
topology: tpu7x:2x2x1
jax: 0.10.2.dev20260603
libtpu: 0.0.44.dev20260713+nightly
codegen_flags: <defaults>
</compile_context>

<pallas_src>
import functools

import jax
import jax.numpy as jnp
from jax import lax
from jax.experimental import pallas as pl
from jax.experimental.pallas import tpu as pltpu
from jax.experimental.pallas import tpu_sc as plsc

B, A, C, K = 8, 50000, 80, 100
AP = 50048
CT = 8
NEG = float("-inf")


def _topk_body(s_ref, v_ref, i_ref):
    b = pl.program_id(0)
    v0 = s_ref[0]
    ia = lax.broadcasted_iota(jnp.int32, (CT, AP), 1)
    ik = lax.broadcasted_iota(jnp.int32, (CT, K), 1)

    def step(r, carry):
        v, accv, acci = carry
        m = jnp.max(v, axis=1, keepdims=True)
        p = jnp.min(jnp.where(v == m, ia, AP), axis=1, keepdims=True)
        accv = jnp.where(ik == r, m, accv)
        acci = jnp.where(ik == r, p, acci)
        v = jnp.where(ia == p, NEG, v)
        return v, accv, acci

    _, accv, acci = lax.fori_loop(
        0, K, step,
        (v0, jnp.zeros((CT, K), jnp.float32), jnp.zeros((CT, K), jnp.int32)),
    )
    v_ref[0] = accv
    i_ref[0] = acci + b * A


def _topk(s_pad):
    return pl.pallas_call(
        _topk_body,
        grid=(B, C // CT),
        in_specs=[pl.BlockSpec((1, CT, AP), lambda b, ct: (b, ct, 0))],
        out_specs=[
            pl.BlockSpec((1, CT, K), lambda b, ct: (b, ct, 0)),
            pl.BlockSpec((1, CT, K), lambda b, ct: (b, ct, 0)),
        ],
        out_shape=[
            jax.ShapeDtypeStruct((B, C, K), jnp.float32),
            jax.ShapeDtypeStruct((B, C, K), jnp.int32),
        ],
    )(s_pad)


N_IDX = B * K * C
D_PAD = 128
CH = 400


def _make_gather():
    info = plsc.get_sparse_core_info()
    nc, ns = info.num_cores, info.num_subcores
    nw = nc * ns
    b_per_w = N_IDX // nw
    n_ch = b_per_w // CH
    mesh = plsc.VectorSubcoreMesh(core_axis_name="c", subcore_axis_name="s")

    @functools.partial(
        pl.kernel, mesh=mesh,
        out_type=jax.ShapeDtypeStruct((N_IDX, D_PAD), jnp.float32),
        scratch_types=[
            pltpu.VMEM((CH,), jnp.int32),
            pltpu.VMEM((CH, D_PAD), jnp.float32),
            pltpu.SemaphoreType.DMA,
        ],
    )
    def gather_k(table_hbm, idx_hbm, out_hbm, idx_v, rows_v, sem):
        wid = lax.axis_index("s") * nc + lax.axis_index("c")
        base = wid * b_per_w
        for j in range(n_ch):
            pltpu.sync_copy(idx_hbm.at[pl.ds(base + j * CH, CH)], idx_v)
            pltpu.async_copy(table_hbm.at[idx_v], rows_v, sem).wait()
            pltpu.sync_copy(rows_v, out_hbm.at[pl.ds(base + j * CH, CH)])

    return gather_k


def kernel(scores, boxes):
    s2 = jnp.transpose(scores, (0, 2, 1))
    s2 = jnp.pad(s2, ((0, 0), (0, 0), (0, AP - A)), constant_values=-jnp.inf)
    vals_ck, idx_ck = _topk(s2)
    vals = jnp.transpose(vals_ck, (0, 2, 1))
    idxf = jnp.transpose(idx_ck, (0, 2, 1)).reshape(N_IDX)
    table = jnp.pad(boxes.reshape(B * A, 4), ((0, 0), (0, D_PAD - 4)))
    rows = _make_gather()(table, idxf)
    gboxes = rows[:, :4].reshape(B, K, C, 4)
    return (vals, gboxes)

# --- scband reference (transcript-rebuilt; emitter-appended) ---
"""Pipeline reference for scband-filter-top-kdetections-1554778161173 (READ-ONLY COPY).

The authoritative reference and input builder live on the scoring server;
editing this copy changes nothing except your own understanding.
"""

import jax, jax.numpy as jnp
import numpy as np

TOP_K = 100

def setup_inputs(seed: int = 0):
    key = jax.random.key(seed)
    k1, k2 = jax.random.split(key)
    scores = jax.random.normal(k1, (8, 50000, 80), dtype=jnp.float32)
    boxes = jax.random.uniform(k2, (8, 50000, 4), dtype=jnp.float32)
    return {"scores": scores, "boxes": boxes}

def reference(scores, boxes):
    # _filter_per_class path (filter_per_class=True)
    B, num_anchors, num_classes = scores.shape
    top_k = min(TOP_K, num_anchors)
    s = jnp.transpose(scores, (0, 2, 1))            # [B, C, A]
    s = jnp.reshape(s, (-1, num_anchors))           # [B*C, A]
    vals, idx = jax.lax.top_k(s, top_k)             # [B*C, K]
    vals = jnp.reshape(vals, (B, num_classes, top_k))
    idx = jnp.reshape(idx, (B, num_classes, top_k))
    vals = jnp.transpose(vals, (0, 2, 1))           # [B, K, C]
    idx = jnp.transpose(idx, (0, 2, 1))             # [B, K, C]
    # tf.gather(boxes, indices, batch_dims=1): per-batch gather of [K, C] anchor ids
    gboxes = jax.vmap(lambda b, i: b[i])(boxes, idx)  # [B, K, C, 4]
    return (vals, gboxes)

if __name__ == "__main__":
    import jax
    _d = setup_inputs()
    print(jax.jit(kernel)(*tuple(_d.values())))

</pallas_src>

<mosaic_0001>
#map = affine_map<(d0, d1) -> (0, 0)>
#map1 = affine_map<(d0, d1) -> (0)>
module attributes {stable_mosaic.version = 14 : i64} {
  func.func @gather_k(%arg0: i32, %arg1: i32, %arg2: memref<400000x128xf32, #tpu.memory_space<hbm>>, %arg3: memref<64000xi32, #tpu.memory_space<hbm>>, %arg4: memref<64000x128xf32, #tpu.memory_space<hbm>>, %arg5: memref<400xi32, #tpu.memory_space<vmem>>, %arg6: memref<400x128xf32, #tpu.memory_space<vmem>>, %arg7: memref<!tpu.dma_semaphore, #tpu.memory_space<semaphore_mem>>) attributes {dimension_semantics = [#tpu.dimension_semantics<core_parallel>, #tpu.dimension_semantics<subcore_parallel>], iteration_bounds = array<i64: 2, 16>, scalar_prefetch = 0 : i64, scratch_operands = 3 : i64, tpu.core_type = #tpu.core_type<sc_vector_subcore>, window_params = [{transform_indices = #map}, {transform_indices = #map1}, {transform_indices = #map}]} {
    %mul3A = arith.constant 2 : i32
    %mul3A_0 = arith.muli %arg1, %mul3A : i32
    %add3A = arith.addi %mul3A_0, %arg0 : i32
    %mul3A_1 = arith.constant 2000 : i32
    %mul3A_2 = arith.muli %add3A, %mul3A_1 : i32
    %add3A_3 = arith.constant 0 : i32
    %add3A_4 = arith.addi %mul3A_2, %add3A_3 : i32
    "tpu.region"() ({
      %run_scoped3A = tpu.sem_alloc : memref<!tpu.dma_semaphore, #tpu.memory_space<semaphore_mem>>
      %dma_start3A_51 = tpu.memref_slice %arg3[%add3A_4] : memref<64000xi32, #tpu.memory_space<hbm>> -> memref<400xi32, #tpu.memory_space<hbm>>
      %dma_start3A_52 = tpu.memref_slice %arg3[%add3A_4] : memref<64000xi32, #tpu.memory_space<hbm>> -> memref<400xi32, #tpu.memory_space<hbm>>
      tpu.enqueue_dma source(%dma_start3A_52 : memref<400xi32, #tpu.memory_space<hbm>>) target(%arg5 : memref<400xi32, #tpu.memory_space<vmem>>) target_semaphore(%run_scoped3A : memref<!tpu.dma_semaphore, #tpu.memory_space<semaphore_mem>>)
      %dma_wait3A_53 = tpu.memref_slice %arg3[%add3A_4] : memref<64000xi32, #tpu.memory_space<hbm>> -> memref<400xi32, #tpu.memory_space<hbm>>
      %dma_wait3A_54 = tpu.memref_slice %arg3[%add3A_4] : memref<64000xi32, #tpu.memory_space<hbm>> -> memref<400xi32, #tpu.memory_space<hbm>>
      tpu.wait_dma2 semaphore(%run_scoped3A : memref<!tpu.dma_semaphore, #tpu.memory_space<semaphore_mem>>) src(%dma_wait3A_54 : memref<400xi32, #tpu.memory_space<hbm>>) dst(%arg5 : memref<400xi32, #tpu.memory_space<vmem>>)
      tpu.yield
    }) : () -> ()
    %dma_start3A = arith.constant 0 : i32
    %dma_start3A_5 = arith.constant 0 : i32
    %dma_start3A_6 = tpu.memref_slice %arg2[%dma_start3A, %dma_start3A_5] : memref<400000x128xf32, #tpu.memory_space<hbm>> -> memref<400000x128xf32, #tpu.memory_space<hbm>>
    tpu.enqueue_indirect_dma source(%dma_start3A_6 : memref<400000x128xf32, #tpu.memory_space<hbm>>) target(%arg6 : memref<400x128xf32, #tpu.memory_space<vmem>>) offsets(%arg5 : memref<400xi32, #tpu.memory_space<vmem>>) semaphore(%arg7 : memref<!tpu.dma_semaphore, #tpu.memory_space<semaphore_mem>>)
    %dma_wait3A = arith.constant 0 : i32
    %dma_wait3A_7 = arith.constant 0 : i32
    %dma_wait3A_8 = tpu.memref_slice %arg2[%dma_wait3A, %dma_wait3A_7] : memref<400000x128xf32, #tpu.memory_space<hbm>> -> memref<400000x128xf32, #tpu.memory_space<hbm>>
    tpu.wait_indirect_dma semaphore(%arg7 : memref<!tpu.dma_semaphore, #tpu.memory_space<semaphore_mem>>) src(%dma_wait3A_8 : memref<400000x128xf32, #tpu.memory_space<hbm>>) dst(%arg6 : memref<400x128xf32, #tpu.memory_space<vmem>>)
    %add3A_9 = arith.constant 0 : i32
    %add3A_10 = arith.addi %mul3A_2, %add3A_9 : i32
    "tpu.region"() ({
      %run_scoped3A = tpu.sem_alloc : memref<!tpu.dma_semaphore, #tpu.memory_space<semaphore_mem>>
      %dma_start3A_51 = arith.constant 0 : i32
      %dma_start3A_52 = tpu.memref_slice %arg4[%add3A_10, %dma_start3A_51] : memref<64000x128xf32, #tpu.memory_space<hbm>> -> memref<400x128xf32, #tpu.memory_space<hbm>>
      %dma_start3A_53 = arith.constant 0 : i32
      %dma_start3A_54 = tpu.memref_slice %arg4[%add3A_10, %dma_start3A_53] : memref<64000x128xf32, #tpu.memory_space<hbm>> -> memref<400x128xf32, #tpu.memory_space<hbm>>
      tpu.enqueue_dma source(%arg6 : memref<400x128xf32, #tpu.memory_space<vmem>>) target(%dma_start3A_54 : memref<400x128xf32, #tpu.memory_space<hbm>>) target_semaphore(%run_scoped3A : memref<!tpu.dma_semaphore, #tpu.memory_space<semaphore_mem>>)
      %dma_wait3A_55 = arith.constant 0 : i32
      %dma_wait3A_56 = tpu.memref_slice %arg4[%add3A_10, %dma_wait3A_55] : memref<64000x128xf32, #tpu.memory_space<hbm>> -> memref<400x128xf32, #tpu.memory_space<hbm>>
      %dma_wait3A_57 = arith.constant 0 : i32
      %dma_wait3A_58 = tpu.memref_slice %arg4[%add3A_10, %dma_wait3A_57] : memref<64000x128xf32, #tpu.memory_space<hbm>> -> memref<400x128xf32, #tpu.memory_space<hbm>>
      tpu.wait_dma2 semaphore(%run_scoped3A : memref<!tpu.dma_semaphore, #tpu.memory_space<semaphore_mem>>) src(%arg6 : memref<400x128xf32, #tpu.memory_space<vmem>>) dst(%dma_wait3A_58 : memref<400x128xf32, #tpu.memory_space<hbm>>)
      tpu.yield
    }) : () -> ()
    %add3A_11 = arith.constant 400 : i32
    %add3A_12 = arith.addi %mul3A_2, %add3A_11 : i32
    "tpu.region"() ({
      %run_scoped3A = tpu.sem_alloc : memref<!tpu.dma_semaphore, #tpu.memory_space<semaphore_mem>>
      %dma_start3A_51 = tpu.memref_slice %arg3[%add3A_12] : memref<64000xi32, #tpu.memory_space<hbm>> -> memref<400xi32, #tpu.memory_space<hbm>>
      %dma_start3A_52 = tpu.memref_slice %arg3[%add3A_12] : memref<64000xi32, #tpu.memory_space<hbm>> -> memref<400xi32, #tpu.memory_space<hbm>>
      tpu.enqueue_dma source(%dma_start3A_52 : memref<400xi32, #tpu.memory_space<hbm>>) target(%arg5 : memref<400xi32, #tpu.memory_space<vmem>>) target_semaphore(%run_scoped3A : memref<!tpu.dma_semaphore, #tpu.memory_space<semaphore_mem>>)
      %dma_wait3A_53 = tpu.memref_slice %arg3[%add3A_12] : memref<64000xi32, #tpu.memory_space<hbm>> -> memref<400xi32, #tpu.memory_space<hbm>>
      %dma_wait3A_54 = tpu.memref_slice %arg3[%add3A_12] : memref<64000xi32, #tpu.memory_space<hbm>> -> memref<400xi32, #tpu.memory_space<hbm>>
      tpu.wait_dma2 semaphore(%run_scoped3A : memref<!tpu.dma_semaphore, #tpu.memory_space<semaphore_mem>>) src(%dma_wait3A_54 : memref<400xi32, #tpu.memory_space<hbm>>) dst(%arg5 : memref<400xi32, #tpu.memory_space<vmem>>)
      tpu.yield
    }) : () -> ()
    %dma_start3A_13 = arith.constant 0 : i32
    %dma_start3A_14 = arith.constant 0 : i32
    %dma_start3A_15 = tpu.memref_slice %arg2[%dma_start3A_13, %dma_start3A_14] : memref<400000x128xf32, #tpu.memory_space<hbm>> -> memref<400000x128xf32, #tpu.memory_space<hbm>>
    tpu.enqueue_indirect_dma source(%dma_start3A_15 : memref<400000x128xf32, #tpu.memory_space<hbm>>) target(%arg6 : memref<400x128xf32, #tpu.memory_space<vmem>>) offsets(%arg5 : memref<400xi32, #tpu.memory_space<vmem>>) semaphore(%arg7 : memref<!tpu.dma_semaphore, #tpu.memory_space<semaphore_mem>>)
    %dma_wait3A_16 = arith.constant 0 : i32
    %dma_wait3A_17 = arith.constant 0 : i32
    %dma_wait3A_18 = tpu.memref_slice %arg2[%dma_wait3A_16, %dma_wait3A_17] : memref<400000x128xf32, #tpu.memory_space<hbm>> -> memref<400000x128xf32, #tpu.memory_space<hbm>>
    tpu.wait_indirect_dma semaphore(%arg7 : memref<!tpu.dma_semaphore, #tpu.memory_space<semaphore_mem>>) src(%dma_wait3A_18 : memref<400000x128xf32, #tpu.memory_space<hbm>>) dst(%arg6 : memref<400x128xf32, #tpu.memory_space<vmem>>)
    %add3A_19 = arith.constant 400 : i32
    %add3A_20 = arith.addi %mul3A_2, %add3A_19 : i32
    "tpu.region"() ({
      %run_scoped3A = tpu.sem_alloc : memref<!tpu.dma_semaphore, #tpu.memory_space<semaphore_mem>>
      %dma_start3A_51 = arith.constant 0 : i32
      %dma_start3A_52 = tpu.memref_slice %arg4[%add3A_20, %dma_start3A_51] : memref<64000x128xf32, #tpu.memory_space<hbm>> -> memref<400x128xf32, #tpu.memory_space<hbm>>
      %dma_start3A_53 = arith.constant 0 : i32
      %dma_start3A_54 = tpu.memref_slice %arg4[%add3A_20, %dma_start3A_53] : memref<64000x128xf32, #tpu.memory_space<hbm>> -> memref<400x128xf32, #tpu.memory_space<hbm>>
      tpu.enqueue_dma source(%arg6 : memref<400x128xf32, #tpu.memory_space<vmem>>) target(%dma_start3A_54 : memref<400x128xf32, #tpu.memory_space<hbm>>) target_semaphore(%run_scoped3A : memref<!tpu.dma_semaphore, #tpu.memory_space<semaphore_mem>>)
      %dma_wait3A_55 = arith.constant 0 : i32
      %dma_wait3A_56 = tpu.memref_slice %arg4[%add3A_20, %dma_wait3A_55] : memref<64000x128xf32, #tpu.memory_space<hbm>> -> memref<400x128xf32, #tpu.memory_space<hbm>>
      %dma_wait3A_57 = arith.constant 0 : i32
      %dma_wait3A_58 = tpu.memref_slice %arg4[%add3A_20, %dma_wait3A_57] : memref<64000x128xf32, #tpu.memory_space<hbm>> -> memref<400x128xf32, #tpu.memory_space<hbm>>
      tpu.wait_dma2 semaphore(%run_scoped3A : memref<!tpu.dma_semaphore, #tpu.memory_space<semaphore_mem>>) src(%arg6 : memref<400x128xf32, #tpu.memory_space<vmem>>) dst(%dma_wait3A_58 : memref<400x128xf32, #tpu.memory_space<hbm>>)
      tpu.yield
    }) : () -> ()
    %add3A_21 = arith.constant 800 : i32
    %add3A_22 = arith.addi %mul3A_2, %add3A_21 : i32
    "tpu.region"() ({
      %run_scoped3A = tpu.sem_alloc : memref<!tpu.dma_semaphore, #tpu.memory_space<semaphore_mem>>
      %dma_start3A_51 = tpu.memref_slice %arg3[%add3A_22] : memref<64000xi32, #tpu.memory_space<hbm>> -> memref<400xi32, #tpu.memory_space<hbm>>
      %dma_start3A_52 = tpu.memref_slice %arg3[%add3A_22] : memref<64000xi32, #tpu.memory_space<hbm>> -> memref<400xi32, #tpu.memory_space<hbm>>
      tpu.enqueue_dma source(%dma_start3A_52 : memref<400xi32, #tpu.memory_space<hbm>>) target(%arg5 : memref<400xi32, #tpu.memory_space<vmem>>) target_semaphore(%run_scoped3A : memref<!tpu.dma_semaphore, #tpu.memory_space<semaphore_mem>>)
      %dma_wait3A_53 = tpu.memref_slice %arg3[%add3A_22] : memref<64000xi32, #tpu.memory_space<hbm>> -> memref<400xi32, #tpu.memory_space<hbm>>
      %dma_wait3A_54 = tpu.memref_slice %arg3[%add3A_22] : memref<64000xi32, #tpu.memory_space<hbm>> -> memref<400xi32, #tpu.memory_space<hbm>>
      tpu.wait_dma2 semaphore(%run_scoped3A : memref<!tpu.dma_semaphore, #tpu.memory_space<semaphore_mem>>) src(%dma_wait3A_54 : memref<400xi32, #tpu.memory_space<hbm>>) dst(%arg5 : memref<400xi32, #tpu.memory_space<vmem>>)
      tpu.yield
    }) : () -> ()
    %dma_start3A_23 = arith.constant 0 : i32
    %dma_start3A_24 = arith.constant 0 : i32
    %dma_start3A_25 = tpu.memref_slice %arg2[%dma_start3A_23, %dma_start3A_24] : memref<400000x128xf32, #tpu.memory_space<hbm>> -> memref<400000x128xf32, #tpu.memory_space<hbm>>
    tpu.enqueue_indirect_dma source(%dma_start3A_25 : memref<400000x128xf32, #tpu.memory_space<hbm>>) target(%arg6 : memref<400x128xf32, #tpu.memory_space<vmem>>) offsets(%arg5 : memref<400xi32, #tpu.memory_space<vmem>>) semaphore(%arg7 : memref<!tpu.dma_semaphore, #tpu.memory_space<semaphore_mem>>)
    %dma_wait3A_26 = arith.constant 0 : i32
    %dma_wait3A_27 = arith.constant 0 : i32
    %dma_wait3A_28 = tpu.memref_slice %arg2[%dma_wait3A_26, %dma_wait3A_27] : memref<400000x128xf32, #tpu.memory_space<hbm>> -> memref<400000x128xf32, #tpu.memory_space<hbm>>
    tpu.wait_indirect_dma semaphore(%arg7 : memref<!tpu.dma_semaphore, #tpu.memory_space<semaphore_mem>>) src(%dma_wait3A_28 : memref<400000x128xf32, #tpu.memory_space<hbm>>) dst(%arg6 : memref<400x128xf32, #tpu.memory_space<vmem>>)
    %add3A_29 = arith.constant 800 : i32
    %add3A_30 = arith.addi %mul3A_2, %add3A_29 : i32
    "tpu.region"() ({
      %run_scoped3A = tpu.sem_alloc : memref<!tpu.dma_semaphore, #tpu.memory_space<semaphore_mem>>
      %dma_start3A_51 = arith.constant 0 : i32
      %dma_start3A_52 = tpu.memref_slice %arg4[%add3A_30, %dma_start3A_51] : memref<64000x128xf32, #tpu.memory_space<hbm>> -> memref<400x128xf32, #tpu.memory_space<hbm>>
      %dma_start3A_53 = arith.constant 0 : i32
      %dma_start3A_54 = tpu.memref_slice %arg4[%add3A_30, %dma_start3A_53] : memref<64000x128xf32, #tpu.memory_space<hbm>> -> memref<400x128xf32, #tpu.memory_space<hbm>>
      tpu.enqueue_dma source(%arg6 : memref<400x128xf32, #tpu.memory_space<vmem>>) target(%dma_start3A_54 : memref<400x128xf32, #tpu.memory_space<hbm>>) target_semaphore(%run_scoped3A : memref<!tpu.dma_semaphore, #tpu.memory_space<semaphore_mem>>)
      %dma_wait3A_55 = arith.constant 0 : i32
      %dma_wait3A_56 = tpu.memref_slice %arg4[%add3A_30, %dma_wait3A_55] : memref<64000x128xf32, #tpu.memory_space<hbm>> -> memref<400x128xf32, #tpu.memory_space<hbm>>
      %dma_wait3A_57 = arith.constant 0 : i32
      %dma_wait3A_58 = tpu.memref_slice %arg4[%add3A_30, %dma_wait3A_57] : memref<64000x128xf32, #tpu.memory_space<hbm>> -> memref<400x128xf32, #tpu.memory_space<hbm>>
      tpu.wait_dma2 semaphore(%run_scoped3A : memref<!tpu.dma_semaphore, #tpu.memory_space<semaphore_mem>>) src(%arg6 : memref<400x128xf32, #tpu.memory_space<vmem>>) dst(%dma_wait3A_58 : memref<400x128xf32, #tpu.memory_space<hbm>>)
      tpu.yield
    }) : () -> ()
    %add3A_31 = arith.constant 1200 : i32
    %add3A_32 = arith.addi %mul3A_2, %add3A_31 : i32
    "tpu.region"() ({
      %run_scoped3A = tpu.sem_alloc : memref<!tpu.dma_semaphore, #tpu.memory_space<semaphore_mem>>
      %dma_start3A_51 = tpu.memref_slice %arg3[%add3A_32] : memref<64000xi32, #tpu.memory_space<hbm>> -> memref<400xi32, #tpu.memory_space<hbm>>
      %dma_start3A_52 = tpu.memref_slice %arg3[%add3A_32] : memref<64000xi32, #tpu.memory_space<hbm>> -> memref<400xi32, #tpu.memory_space<hbm>>
      tpu.enqueue_dma source(%dma_start3A_52 : memref<400xi32, #tpu.memory_space<hbm>>) target(%arg5 : memref<400xi32, #tpu.memory_space<vmem>>) target_semaphore(%run_scoped3A : memref<!tpu.dma_semaphore, #tpu.memory_space<semaphore_mem>>)
      %dma_wait3A_53 = tpu.memref_slice %arg3[%add3A_32] : memref<64000xi32, #tpu.memory_space<hbm>> -> memref<400xi32, #tpu.memory_space<hbm>>
      %dma_wait3A_54 = tpu.memref_slice %arg3[%add3A_32] : memref<64000xi32, #tpu.memory_space<hbm>> -> memref<400xi32, #tpu.memory_space<hbm>>
      tpu.wait_dma2 semaphore(%run_scoped3A : memref<!tpu.dma_semaphore, #tpu.memory_space<semaphore_mem>>) src(%dma_wait3A_54 : memref<400xi32, #tpu.memory_space<hbm>>) dst(%arg5 : memref<400xi32, #tpu.memory_space<vmem>>)
      tpu.yield
    }) : () -> ()
    %dma_start3A_33 = arith.constant 0 : i32
    %dma_start3A_34 = arith.constant 0 : i32
    %dma_start3A_35 = tpu.memref_slice %arg2[%dma_start3A_33, %dma_start3A_34] : memref<400000x128xf32, #tpu.memory_space<hbm>> -> memref<400000x128xf32, #tpu.memory_space<hbm>>
    tpu.enqueue_indirect_dma source(%dma_start3A_35 : memref<400000x128xf32, #tpu.memory_space<hbm>>) target(%arg6 : memref<400x128xf32, #tpu.memory_space<vmem>>) offsets(%arg5 : memref<400xi32, #tpu.memory_space<vmem>>) semaphore(%arg7 : memref<!tpu.dma_semaphore, #tpu.memory_space<semaphore_mem>>)
    %dma_wait3A_36 = arith.constant 0 : i32
    %dma_wait3A_37 = arith.constant 0 : i32
    %dma_wait3A_38 = tpu.memref_slice %arg2[%dma_wait3A_36, %dma_wait3A_37] : memref<400000x128xf32, #tpu.memory_space<hbm>> -> memref<400000x128xf32, #tpu.memory_space<hbm>>
    tpu.wait_indirect_dma semaphore(%arg7 : memref<!tpu.dma_semaphore, #tpu.memory_space<semaphore_mem>>) src(%dma_wait3A_38 : memref<400000x128xf32, #tpu.memory_space<hbm>>) dst(%arg6 : memref<400x128xf32, #tpu.memory_space<vmem>>)
    %add3A_39 = arith.constant 1200 : i32
    %add3A_40 = arith.addi %mul3A_2, %add3A_39 : i32
    "tpu.region"() ({
      %run_scoped3A = tpu.sem_alloc : memref<!tpu.dma_semaphore, #tpu.memory_space<semaphore_mem>>
      %dma_start3A_51 = arith.constant 0 : i32
      %dma_start3A_52 = tpu.memref_slice %arg4[%add3A_40, %dma_start3A_51] : memref<64000x128xf32, #tpu.memory_space<hbm>> -> memref<400x128xf32, #tpu.memory_space<hbm>>
      %dma_start3A_53 = arith.constant 0 : i32
      %dma_start3A_54 = tpu.memref_slice %arg4[%add3A_40, %dma_start3A_53] : memref<64000x128xf32, #tpu.memory_space<hbm>> -> memref<400x128xf32, #tpu.memory_space<hbm>>
      tpu.enqueue_dma source(%arg6 : memref<400x128xf32, #tpu.memory_space<vmem>>) target(%dma_start3A_54 : memref<400x128xf32, #tpu.memory_space<hbm>>) target_semaphore(%run_scoped3A : memref<!tpu.dma_semaphore, #tpu.memory_space<semaphore_mem>>)
      %dma_wait3A_55 = arith.constant 0 : i32
      %dma_wait3A_56 = tpu.memref_slice %arg4[%add3A_40, %dma_wait3A_55] : memref<64000x128xf32, #tpu.memory_space<hbm>> -> memref<400x128xf32, #tpu.memory_space<hbm>>
      %dma_wait3A_57 = arith.constant 0 : i32
      %dma_wait3A_58 = tpu.memref_slice %arg4[%add3A_40, %dma_wait3A_57] : memref<64000x128xf32, #tpu.memory_space<hbm>> -> memref<400x128xf32, #tpu.memory_space<hbm>>
      tpu.wait_dma2 semaphore(%run_scoped3A : memref<!tpu.dma_semaphore, #tpu.memory_space<semaphore_mem>>) src(%arg6 : memref<400x128xf32, #tpu.memory_space<vmem>>) dst(%dma_wait3A_58 : memref<400x128xf32, #tpu.memory_space<hbm>>)
      tpu.yield
    }) : () -> ()
    %add3A_41 = arith.constant 1600 : i32
    %add3A_42 = arith.addi %mul3A_2, %add3A_41 : i32
    "tpu.region"() ({
      %run_scoped3A = tpu.sem_alloc : memref<!tpu.dma_semaphore, #tpu.memory_space<semaphore_mem>>
      %dma_start3A_51 = tpu.memref_slice %arg3[%add3A_42] : memref<64000xi32, #tpu.memory_space<hbm>> -> memref<400xi32, #tpu.memory_space<hbm>>
      %dma_start3A_52 = tpu.memref_slice %arg3[%add3A_42] : memref<64000xi32, #tpu.memory_space<hbm>> -> memref<400xi32, #tpu.memory_space<hbm>>
      tpu.enqueue_dma source(%dma_start3A_52 : memref<400xi32, #tpu.memory_space<hbm>>) target(%arg5 : memref<400xi32, #tpu.memory_space<vmem>>) target_semaphore(%run_scoped3A : memref<!tpu.dma_semaphore, #tpu.memory_space<semaphore_mem>>)
      %dma_wait3A_53 = tpu.memref_slice %arg3[%add3A_42] : memref<64000xi32, #tpu.memory_space<hbm>> -> memref<400xi32, #tpu.memory_space<hbm>>
      %dma_wait3A_54 = tpu.memref_slice %arg3[%add3A_42] : memref<64000xi32, #tpu.memory_space<hbm>> -> memref<400xi32, #tpu.memory_space<hbm>>
      tpu.wait_dma2 semaphore(%run_scoped3A : memref<!tpu.dma_semaphore, #tpu.memory_space<semaphore_mem>>) src(%dma_wait3A_54 : memref<400xi32, #tpu.memory_space<hbm>>) dst(%arg5 : memref<400xi32, #tpu.memory_space<vmem>>)
      tpu.yield
    }) : () -> ()
    %dma_start3A_43 = arith.constant 0 : i32
    %dma_start3A_44 = arith.constant 0 : i32
    %dma_start3A_45 = tpu.memref_slice %arg2[%dma_start3A_43, %dma_start3A_44] : memref<400000x128xf32, #tpu.memory_space<hbm>> -> memref<400000x128xf32, #tpu.memory_space<hbm>>
    tpu.enqueue_indirect_dma source(%dma_start3A_45 : memref<400000x128xf32, #tpu.memory_space<hbm>>) target(%arg6 : memref<400x128xf32, #tpu.memory_space<vmem>>) offsets(%arg5 : memref<400xi32, #tpu.memory_space<vmem>>) semaphore(%arg7 : memref<!tpu.dma_semaphore, #tpu.memory_space<semaphore_mem>>)
    %dma_wait3A_46 = arith.constant 0 : i32
    %dma_wait3A_47 = arith.constant 0 : i32
    %dma_wait3A_48 = tpu.memref_slice %arg2[%dma_wait3A_46, %dma_wait3A_47] : memref<400000x128xf32, #tpu.memory_space<hbm>> -> memref<400000x128xf32, #tpu.memory_space<hbm>>
    tpu.wait_indirect_dma semaphore(%arg7 : memref<!tpu.dma_semaphore, #tpu.memory_space<semaphore_mem>>) src(%dma_wait3A_48 : memref<400000x128xf32, #tpu.memory_space<hbm>>) dst(%arg6 : memref<400x128xf32, #tpu.memory_space<vmem>>)
    %add3A_49 = arith.constant 1600 : i32
    %add3A_50 = arith.addi %mul3A_2, %add3A_49 : i32
    "tpu.region"() ({
      %run_scoped3A = tpu.sem_alloc : memref<!tpu.dma_semaphore, #tpu.memory_space<semaphore_mem>>
      %dma_start3A_51 = arith.constant 0 : i32
      %dma_start3A_52 = tpu.memref_slice %arg4[%add3A_50, %dma_start3A_51] : memref<64000x128xf32, #tpu.memory_space<hbm>> -> memref<400x128xf32, #tpu.memory_space<hbm>>
      %dma_start3A_53 = arith.constant 0 : i32
      %dma_start3A_54 = tpu.memref_slice %arg4[%add3A_50, %dma_start3A_53] : memref<64000x128xf32, #tpu.memory_space<hbm>> -> memref<400x128xf32, #tpu.memory_space<hbm>>
      tpu.enqueue_dma source(%arg6 : memref<400x128xf32, #tpu.memory_space<vmem>>) target(%dma_start3A_54 : memref<400x128xf32, #tpu.memory_space<hbm>>) target_semaphore(%run_scoped3A : memref<!tpu.dma_semaphore, #tpu.memory_space<semaphore_mem>>)
      %dma_wait3A_55 = arith.constant 0 : i32
      %dma_wait3A_56 = tpu.memref_slice %arg4[%add3A_50, %dma_wait3A_55] : memref<64000x128xf32, #tpu.memory_space<hbm>> -> memref<400x128xf32, #tpu.memory_space<hbm>>
      %dma_wait3A_57 = arith.constant 0 : i32
      %dma_wait3A_58 = tpu.memref_slice %arg4[%add3A_50, %dma_wait3A_57] : memref<64000x128xf32, #tpu.memory_space<hbm>> -> memref<400x128xf32, #tpu.memory_space<hbm>>
      tpu.wait_dma2 semaphore(%run_scoped3A : memref<!tpu.dma_semaphore, #tpu.memory_space<semaphore_mem>>) src(%arg6 : memref<400x128xf32, #tpu.memory_space<vmem>>) dst(%dma_wait3A_58 : memref<400x128xf32, #tpu.memory_space<hbm>>)
      tpu.yield
    }) : () -> ()
    return
  }
}

module attributes {stable_mosaic.version = 14 : i64} {
  func.func @_topk_body(%arg0: i32, %arg1: i32, %arg2: memref<1x8x50048xf32, #tpu.memory_space<vmem>>, %arg3: memref<1x8x100xf32, #tpu.memory_space<vmem>>, %arg4: memref<1x8x100xi32, #tpu.memory_space<vmem>>) attributes {dimension_semantics = [#tpu.dimension_semantics<arbitrary>, #tpu.dimension_semantics<arbitrary>], iteration_bounds = array<i64: 8, 10>, scalar_prefetch = 0 : i64, scratch_operands = 0 : i64, tpu.core_type = #tpu.core_type<tc>, window_params = [{transform_indices = @transform_0, window_bounds = array<i64: 1, 8, 50048>}, {transform_indices = @transform_1, window_bounds = array<i64: 1, 8, 100>}, {transform_indices = @transform_2, window_bounds = array<i64: 1, 8, 100>}]} {
    %get3A = arith.constant 0 : index
    %get3A_0 = arith.constant 0 : index
    %get3A_1 = arith.constant 0 : index
    %get3A_2 = vector.load %arg2[%get3A, %get3A_0, %get3A_1] : memref<1x8x50048xf32, #tpu.memory_space<vmem>>, vector<1x8x50048xf32>
    %get3A_3 = vector.shape_cast %get3A_2 : vector<1x8x50048xf32> to vector<8x50048xf32>
    %iota3A = tpu.iota {dimensions = array<i32: 1>} : vector<8x50048xi32>
    %iota3A_4 = tpu.iota {dimensions = array<i32: 1>} : vector<8x100xi32>
    %broadcast_in_dim3A = arith.constant 0.000000e+00 : f32
    %broadcast_in_dim3A_5 = vector.broadcast %broadcast_in_dim3A : f32 to vector<8x100xf32>
    %broadcast_in_dim3A_6 = arith.constant 0 : i32
    %broadcast_in_dim3A_7 = vector.broadcast %broadcast_in_dim3A_6 : i32 to vector<8x100xi32>
    %scan3A = arith.constant 0 : i32
    %scan3A_8 = arith.constant 100 : i32
    %scan3A_9 = arith.addi %scan3A, %scan3A_8 : i32
    %scan3A_10 = arith.constant 1 : i32
    %scan3A_11:3 = scf.for %scan3A_26 = %scan3A to %scan3A_9 step %scan3A_10 iter_args(%scan3A_27 = %get3A_3, %scan3A_28 = %broadcast_in_dim3A_5, %scan3A_29 = %broadcast_in_dim3A_7) -> (vector<8x50048xf32>, vector<8x100xf32>, vector<8x100xi32>)  : i32 {
      %reduce_max3A = arith.constant dense<0xFF800000> : vector<8xf32>
      %reduce_max3A_30 = vector.multi_reduction <maximumf>, %scan3A_27, %reduce_max3A [1] : vector<8x50048xf32> to vector<8xf32>
      %broadcast_in_dim3A_31 = vector.shape_cast %reduce_max3A_30 : vector<8xf32> to vector<8x1xf32>
      %eq3A = vector.broadcast %broadcast_in_dim3A_31 : vector<8x1xf32> to vector<8x50048xf32>
      %eq3A_32 = arith.cmpf oeq, %scan3A_27, %eq3A : vector<8x50048xf32>
      %jit3A = arith.constant 50048 : i32
      %broadcast_in_dim3A_33 = vector.broadcast %jit3A : i32 to vector<8x50048xi32>
      %select_n3A = arith.select %eq3A_32, %iota3A, %broadcast_in_dim3A_33 : vector<8x50048xi1>, vector<8x50048xi32>
      %reduce_min3A = arith.constant dense<2147483647> : vector<8xi32>
      %reduce_min3A_34 = vector.multi_reduction <minsi>, %select_n3A, %reduce_min3A [1] : vector<8x50048xi32> to vector<8xi32>
      %broadcast_in_dim3A_35 = vector.shape_cast %reduce_min3A_34 : vector<8xi32> to vector<8x1xi32>
      %eq3A_36 = vector.broadcast %scan3A_26 : i32 to vector<8x100xi32>
      %eq3A_37 = arith.cmpi eq, %iota3A_4, %eq3A_36 : vector<8x100xi32>
      %broadcast_in_dim3A_38 = vector.shape_cast %broadcast_in_dim3A_31 : vector<8x1xf32> to vector<8x1xf32>
      %broadcast_in_dim3A_39 = vector.broadcast %broadcast_in_dim3A_38 : vector<8x1xf32> to vector<8x100xf32>
      %select_n3A_40 = arith.select %eq3A_37, %broadcast_in_dim3A_39, %scan3A_28 : vector<8x100xi1>, vector<8x100xf32>
      %eq3A_41 = vector.broadcast %scan3A_26 : i32 to vector<8x100xi32>
      %eq3A_42 = arith.cmpi eq, %iota3A_4, %eq3A_41 : vector<8x100xi32>
      %broadcast_in_dim3A_43 = vector.shape_cast %broadcast_in_dim3A_35 : vector<8x1xi32> to vector<8x1xi32>
      %broadcast_in_dim3A_44 = vector.broadcast %broadcast_in_dim3A_43 : vector<8x1xi32> to vector<8x100xi32>
      %select_n3A_45 = arith.select %eq3A_42, %broadcast_in_dim3A_44, %scan3A_29 : vector<8x100xi1>, vector<8x100xi32>
      %eq3A_46 = vector.broadcast %broadcast_in_dim3A_35 : vector<8x1xi32> to vector<8x50048xi32>
      %eq3A_47 = arith.cmpi eq, %iota3A, %eq3A_46 : vector<8x50048xi32>
      %jit3A_48 = arith.constant 0xFF800000 : f32
      %broadcast_in_dim3A_49 = vector.broadcast %jit3A_48 : f32 to vector<8x50048xf32>
      %select_n3A_50 = arith.select %eq3A_47, %broadcast_in_dim3A_49, %scan3A_27 : vector<8x50048xi1>, vector<8x50048xf32>
      scf.yield %select_n3A_50, %select_n3A_40, %select_n3A_45 : vector<8x50048xf32>, vector<8x100xf32>, vector<8x100xi32>
    }
    %scan3A_12 = arith.constant 100 : i32
    %swap3A = arith.constant 0 : index
    %swap3A_13 = arith.constant 0 : index
    %swap3A_14 = arith.constant 0 : index
    %swap3A_15 = vector.load %arg3[%swap3A, %swap3A_13, %swap3A_14] : memref<1x8x100xf32, #tpu.memory_space<vmem>>, vector<1x8x100xf32>
    %swap3A_16 = vector.shape_cast %swap3A_15 : vector<1x8x100xf32> to vector<8x100xf32>
    %swap3A_17 = vector.shape_cast %scan3A_11#1 : vector<8x100xf32> to vector<1x8x100xf32>
    tpu.vector_store %arg3[%swap3A, %swap3A_13, %swap3A_14], %swap3A_17 {strides = array<i32>} : memref<1x8x100xf32, #tpu.memory_space<vmem>>, vector<1x8x100xf32>,
    %mul3A = arith.constant 50000 : i32
    %mul3A_18 = arith.muli %arg0, %mul3A : i32
    %add3A = vector.broadcast %mul3A_18 : i32 to vector<8x100xi32>
    %add3A_19 = arith.addi %scan3A_11#2, %add3A : vector<8x100xi32>
    %swap3A_20 = arith.constant 0 : index
    %swap3A_21 = arith.constant 0 : index
    %swap3A_22 = arith.constant 0 : index
    %swap3A_23 = vector.load %arg4[%swap3A_20, %swap3A_21, %swap3A_22] : memref<1x8x100xi32, #tpu.memory_space<vmem>>, vector<1x8x100xi32>
    %swap3A_24 = vector.shape_cast %swap3A_23 : vector<1x8x100xi32> to vector<8x100xi32>
    %swap3A_25 = vector.shape_cast %add3A_19 : vector<8x100xi32> to vector<1x8x100xi32>
    tpu.vector_store %arg4[%swap3A_20, %swap3A_21, %swap3A_22], %swap3A_25 {strides = array<i32>} : memref<1x8x100xi32, #tpu.memory_space<vmem>>, vector<1x8x100xi32>,
    return
  }
  func.func @transform_0(%arg0: i32, %arg1: i32) -> (i32, i32, i32) {
    %c0_i32 = arith.constant 0 : i32
    %c0_i32_0 = arith.constant 0 : i32
    return %arg0, %arg1, %c0_i32 : i32, i32, i32
  }
  func.func @transform_1(%arg0: i32, %arg1: i32) -> (i32, i32, i32) {
    %c0_i32 = arith.constant 0 : i32
    %c0_i32_0 = arith.constant 0 : i32
    return %arg0, %arg1, %c0_i32 : i32, i32, i32
  }
  func.func @transform_2(%arg0: i32, %arg1: i32) -> (i32, i32, i32) {
    %c0_i32 = arith.constant 0 : i32
    %c0_i32_0 = arith.constant 0 : i32
    return %arg0, %arg1, %c0_i32 : i32, i32, i32
  }
}

</mosaic_0001>

<sc_bundles>
// kernel: kernel.4.cloned.1.call-start
scs
__scs_entry_jumppad:
0x0: {  	(pc) =	sbr.rel $0x88, $3  }
0x1: {  	(tag) =	ssettag $0x0;
	lr =	simm.s32 $0x1  }
0x2: {  	[smem:$0x3F9F] =	sst lr;
	_ =	strace $0xD0000000  }
0x3: {  	_ = 	snop  }
0x4: {  	_ = 	snop  }
0x5: {  	_ = 	snop  }
0x6: {  	_ = 	snop  }
0x7: {  	_ = 	snop  }
__scs_overlays_trampoline_lowered:
0x8: {  	[smem:$0x3FAE] =	sst s0  }
0x9: {  	[smem:$0x3FAF] =	sst s1  }
0xa: {  	[smem:$0x3FB0] =	sst s2  }
0xb: {  	[smem:$0x3FB1] =	sst s3  }
0xc: {  	[smem:$0x3FB2] =	sst s4  }
0xd: {  	[smem:$0x3FB3] =	sst s5  }
0xe: {  	[smem:$0x3FB4] =	sst s6  }
0xf: {  	[smem:$0x3FB5] =	sst s7  }
0x10: {  	[smem:$0x3FB6] =	sst s8  }
0x11: {  	[smem:$0x3FB7] =	sst s9;
	s0 =	simm.s32 @!p0 $0x0  }
0x12: {  	s1 =	sld [smem:$0x3F9D];
	s0 =	simm.s32 @p0 $0x1  }
0x13: {  	[smem:$0x3FB8] =	sst s0;
	s0 =	simm.s32 @!p1 $0x0  }
0x14: {  	s2 =	sld [smem:$0x3F9C];
	s0 =	simm.s32 @p1 $0x1  }
0x15: {  	[smem:$0x3FB9] =	sst s0;
	s0 =	simm.s32 @!p2 $0x0  }
0x16: {  	s3 =	sld [smem:$0x3FDB];
	s0 =	simm.s32 @p2 $0x1  }
0x17: {  	s4 =	simm.s32 $0x1BF5;
	[smem:$0x3FBB] =	sst s0  }
0x18: {  	s0 =	sld [smem:$0x3F9E];
	_ =	swait.ge [sflag:s4], $0x0  }
0x19: {  	s7 =	sld [smem:$0x3F9F]  }
0x1a: {  	s8 =	sadd.s32 $0xFFFFE003, lr  }
0x1b: {  	s9 =	sadd.s32 $0xFFFFFEF7, lr;
	s5 =	simm.s32 $0xFFFFFFFF;
	p2 =	slt.u32 s8, $0xFFFFF086  }
0x1c: {  	p1 =	slt.u32 s9, $0xF7A;
	s5 =	simm.s32 @!p2 $0x0  }
0x1d: {  	s5 =	simm.s32 @p1 $0x1;
	p0 =	seq.s32 s7, s2  }
0x1e: {  	s7 =	smul.u32 @!p0 $0xF7A, s2;
	p2 =	seq.s32 @!p0 s5, $0x0  }
0x1f: {  	s9 =	smul.u32 $0xF7A, s1;
	s8 =	simm.s32 @!p0 $0x1BF5;
	p2 =	por !p2, p0  }
0x20: {  	[sflag:s8] =	ssyncset.s32 @!p0 $0xFFFFF086;
	s6 =	sadd.s32 @!p0 s3, s7;
	s7 =	simm.s32 @!p0 $0x108  }
0x21: {  	s3 =	sadd.s32 s3, s9;
	s6 =	sadd.s32 @!p0 $0x88, s6;
	s7 =	simm.s32 @p2 $0x1082  }
0x22: {  	[simem:s7], [sflag:s8] =	dma.local @!p0 [hbm:s6], $0xF7A  }
0x23: {  	s9 =	sor.u32 $0xD0000000, s2;
	s6 =	simm.s32 $0x108;
	_ =	swait.ge @!p0 [sflag:s8], $0x0  }
0x24: {  	s3 =	sadd.s32 $0x88, s3;
	s6 =	simm.s32 @!p1 $0x1082;
	[sflag:s4] =	ssyncset.s32 $0xFFFFF086  }
0x25: {  	[simem:s6], [sflag:s4] =	dma.local [hbm:s3], $0xF7A  }
0x26: {  	[smem:$0x3F9F] =	sst s1;
	(tag) =	ssettag s2;
	_ =	strace s9  }
0x27: {  	s1 =	sld [smem:$0x3FAF]  }
0x28: {  	s2 =	sld [smem:$0x3FB0]  }
0x29: {  	s4 =	sld [smem:$0x3FB2]  }
0x2a: {  	p0 =	seq.s32 s5, $0x0;
	s5 =	sld [smem:$0x3FB3]  }
0x2b: {  	s6 =	sld [smem:$0x3FB4]  }
0x2c: {  	s7 =	sld [smem:$0x3FB5]  }
0x2d: {  	s3 =	simm.s32 $0x108;
	s8 =	sld [smem:$0x3FB6]  }
0x2e: {  	s3 =	simm.s32 @!p0 $0x1082;
	s9 =	sld [smem:$0x3FB7]  }
0x2f: {  	lr =	sadd.s32 s0, s3;
	s0 =	sld [smem:$0x3FAE]  }
0x30: {  	s3 =	sld [smem:$0x3FB1]  }
0x31: {  	[smem:$0x3FBA] =	sst s10  }
0x32: {  	s10 =	sld [smem:$0x3FB8];
	_ =	sdelay $0x3  }
0x33: {  	p0 =	seq.s32 s10, $0x1;
	s10 =	sld [smem:$0x3FBA];
	_ =	sdelay $0x3  }
0x34: {  	[smem:$0x3FBA] =	sst s10  }
0x35: {  	s10 =	sld [smem:$0x3FB9];
	_ =	sdelay $0x3  }
0x36: {  	p1 =	seq.s32 s10, $0x1;
	s10 =	sld [smem:$0x3FBA];
	_ =	sdelay $0x3  }
0x37: {  	[smem:$0x3FBA] =	sst s10  }
0x38: {  	s10 =	sld [smem:$0x3FBB]  }
0x39: {  	_ = 	snop;
	(pc) =	sbr.ind lr, $3  }
0x3a: {  	_ = 	snop  }
0x3b: {  	_ = 	snop  }
0x3c: {  	p2 =	seq.s32 s10, $0x1;
	s10 =	sld [smem:$0x3FBA]  }
0x3d: {  	_ =	shalt  }
0x3e: {  	_ =	shalt  }
0x3f: {  	_ =	shalt  }
0x40: {  	_ =	shalt  }
0x41: {  	_ =	shalt  }
0x42: {  	_ =	shalt  }
0x43: {  	_ =	shalt  }
0x44: {  	_ =	shalt  }
0x45: {  	_ =	shalt  }
0x46: {  	_ =	shalt  }
0x47: {  	_ =	shalt  }
0x48: {  	_ =	shalt  }
0x49: {  	_ =	shalt  }
0x4a: {  	_ =	shalt  }
0x4b: {  	_ =	shalt  }
0x4c: {  	_ =	shalt  }
0x4d: {  	_ =	shalt  }
0x4e: {  	_ =	shalt  }
0x4f: {  	_ =	shalt  }
0x50: {  	_ =	shalt  }
0x51: {  	_ =	shalt  }
0x52: {  	_ =	shalt  }
0x53: {  	_ =	shalt  }
0x54: {  	_ =	shalt  }
0x55: {  	_ =	shalt  }
0x56: {  	_ =	shalt  }
0x57: {  	_ =	shalt  }
0x58: {  	_ =	shalt  }
0x59: {  	_ =	shalt  }
0x5a: {  	_ =	shalt  }
0x5b: {  	_ =	shalt  }
0x5c: {  	_ =	shalt  }
0x5d: {  	_ =	shalt  }
0x5e: {  	_ =	shalt  }
0x5f: {  	_ =	shalt  }
0x60: {  	_ =	shalt  }
0x61: {  	_ =	shalt  }
0x62: {  	_ =	shalt  }
0x63: {  	_ =	shalt  }
0x64: {  	_ =	shalt  }
0x65: {  	_ =	shalt  }
0x66: {  	_ =	shalt  }
0x67: {  	_ =	shalt  }
0x68: {  	_ =	shalt  }
0x69: {  	_ =	shalt  }
0x6a: {  	_ =	shalt  }
0x6b: {  	_ =	shalt  }
0x6c: {  	_ =	shalt  }
0x6d: {  	_ =	shalt  }
0x6e: {  	_ =	shalt  }
0x6f: {  	_ =	shalt  }
0x70: {  	_ =	shalt  }
0x71: {  	_ =	shalt  }
0x72: {  	_ =	shalt  }
0x73: {  	_ =	shalt  }
0x74: {  	_ =	shalt  }
0x75: {  	_ =	shalt  }
0x76: {  	_ =	shalt  }
0x77: {  	_ =	shalt  }
0x78: {  	_ =	shalt  }
0x79: {  	_ =	shalt  }
0x7a: {  	_ =	shalt  }
0x7b: {  	_ =	shalt  }
0x7c: {  	_ =	shalt  }
0x7d: {  	_ =	shalt  }
0x7e: {  	_ =	shalt  }
0x7f: {  	_ =	shalt  }
0x80: {  	_ =	shalt  }
0x81: {  	_ =	shalt  }
0x82: {  	_ =	shalt  }
0x83: {  	_ =	shalt  }
0x84: {  	_ =	shalt  }
0x85: {  	_ =	shalt  }
0x86: {  	_ =	shalt  }
0x87: {  	_ =	shalt  }
.Lfunc_end0:
.L_simem_size_0:
called_computation_lowered:
.L_overlay_start_0:
0x88: {  	s2 =	sld [smem:$0x3FD9]  }
0x89: {  	s3 =	sld [smem:$0x3FFE];
	_ =	sdelay $0x1  }
0x8a: {  	s1 =	srdreg.scid  }
0x8b: {  	s0 =	sand.u32 $0x1, s1  }
0x8c: {  	s14 =	sshll.u32 s0, $0xA;
	s2 =	sadd.s32 s3, s2  }
0x8d: {  	s2 =	sadd.s32 s2, s14  }
0x8e: {  	[smem:$0x3FC6] =	sst s2  }
0x8f: {  	_ = 	snop  }
0x90: {  	s2 =	sld [smem:$0x3FD0];
	_ =	sdelay $0x2  }
0x91: {  	s15 =	simm.s32 $0xA;
	s4 =	simm.s32 $0x10  }
0x92: {  	[smem:s4], [sflag:s15] =	dma.local [hbm:s2], $0x1  }
0x93: {  	_ =	swait.eq [sflag:s15], $0x1  }
0x94: {  	[sflag:s15] =	ssyncset.done $0x0  }
0x95: {  	[sflag:s15] =	ssyncadd.s32 $0xFFFFFFFF  }
0x96: {  	s16 =	sld [smem:$0x11];
	(tm) =	ssettm $0x1  }
0x97: {  	s17 =	sld [smem:$0x3FFB];
	_ =	sdelay $0x3  }
0x98: {  	_ =	strace s17  }
0x99: {  	s3 =	sld [smem:$0x3FFC];
	_ =	sdelay $0x3  }
0x9a: {  	_ =	strace s3  }
0x9b: {  	s3 =	sld [smem:$0x3FFD];
	_ =	sdelay $0x3  }
0x9c: {  	_ =	strace s3  }
0x9d: {  	_ =	strace $0x8FFFFFFF  }
0x9e: {  	s18 =	sld [smem:$0x3FDB];
	_ =	sdelay $0x1  }
0x9f: {  	s19 =	simm.s32 $_scs_section_size  }
0xa0: {  	s5 =	simm.s32 $_size__tile_overlayer_lowered;
	s6 =	simm.s32 $_tile_overlayer_lowered  }
0xa1: {  	s22 =	simm.s32 $0x1BFF;
	s21 =	sshll.u32 s6, $0x1;
	s3 =	sadd.s32 s19, s18  }
0xa2: {  	s7 =	simm.s32 $0x0;
	s20 =	sshll.u32 s5, $0x1;
	s5 =	sadd.s32 s21, s3  }
0xa3: {  	[timem:s7], [sflag:s22] =	dma.local [hbm:s5], s20  }
0xa4: {  	_ =	swait.ge [sflag:s22], s20  }
0xa5: {  	s4 =	ssub.s32 $0x0, s20;
	[sflag:s22] =	ssyncset.done $0x0  }
0xa6: {  	[sflag:s22] =	ssyncadd.s32 s4;
	_ =	sdelay $0x1  }
0xa7: {  	s23 =	simm.s32 $0x1B8B  }
0xa8: {  	_ =	swait.ge [sflag:s23], $0x1  }
0xa9: {  	[sflag:s23] =	ssyncset.done $0x0  }
0xaa: {  	s25 =	simm.s32 $0x1B8E;
	s24 =	sld [smem:$0x3FFE];
	[sflag:s23] =	ssyncadd.s32 $0xFFFFFFFF  }
0xab: {  	s26 =	simm.s32 $execute0_lowered;
	[smem:$0x3FD2] =	sst s25  }
0xac: {  	s5 =	sshll.u32 s26, $0x1;
	_ =	strace $0x80000046;
	[dreg:$0x1] =	wrdreg $0xFFFFFFFF  }
0xad: {  	s28 =	simm.s32 $_size_execute0_lowered;
	s3 =	sadd.s32 s3, s5;
	[dreg:$0x0] =	wrdreg $0x0  }
0xae: {  	s5 =	sshll.u32 s28, $0x1;
	[dreg:$0x2] =	wrdreg s3  }
0xaf: {  	[dreg:$0x3] =	wrdreg s5  }
0xb0: {  	[dreg:$0x4] =	wrdreg $0xC0  }
0xb1: {  	_ =	task [dreg:s7], $0x5FFFF  }
0xb2: {  	[dreg:$0x1] =	wrdreg $0xFFFFFFFF  }
0xb3: {  	[dreg:$0x0] =	wrdreg $0x60  }
0xb4: {  	[dreg:$0x2] =	wrdreg s24  }
0xb5: {  	[dreg:$0x3] =	wrdreg s16  }
0xb6: {  	[dreg:$0x4] =	wrdreg $0x9  }
0xb7: {  	_ =	task.clear_ibuf [dreg:s7], $0x5FFFF;
	_ =	strace $0x90000046  }
0xb8: {  	s29 =	simm.s32 $0x9;
	_ =	strace $0x80000048  }
0xb9: {  	_ =	swait.ge [sflag:s29], $0x1  }
0xba: {  	[sflag:s29] =	ssyncadd.s32 $0xFFFFFFFF  }
0xbb: {  	_ =	strace $0x90000048  }
0xbc: {  	_ =	sfence  }
0xbd: {  	s30 =	sld [smem:$0x0];
	_ =	sdelay $0x2  }
0xbe: {  	s31 =	sshll.u32 s1, $0xD;
	s1 =	sshrl.u32 s1, $0x2  }
0xbf: {  	s3 =	sand.u32 $0x4000, s31;
	s1 =	sadd.s32 s1, s30  }
0xc0: {  	s0 =	sor.u32 s3, s0;
	s1 =	sshll.u32 s1, $0x11  }
0xc1: {  	s0 =	sor.u32 s1, s0  }
0xc2: {  	s0 =	sadd.s32 $0x8F2B, s0  }
0xc3: {  	[sflag:s0] =	ssyncadd.remote.s32 $0x1  }
0xc4: {  	_ =	sfence.sel $0xFFFF  }
0xc5: {  	[dreg:$0x0] =	wrdreg $0xFFFFFFFF;
	(pc) =	sbr.abs _section_cstart, $3  }
0xc6: {  	[dreg:$0x1] =	wrdreg $0xFFFFFFFF  }
0xc7: {  	_ =	task.clear_ibuf [dreg:s7], $0x2FFFF;
	_ =	strace $0x9FFFFFFF  }
0xc8: {  	(tm) =	ssettm $0x7FFFFFFF  }
0xc9: {  	_ =	shalt  }
tec
execute0_lowered:
.L_overlay_start_1:
0x0: {  	(tag) =	ssettag $0x1  }
0x1: {  	s1 =	srdreg.scid;
	s0 =	stileid.u32  }
0x2: {  	s17 =	sand.u32 $0x1, s1;
	s26 =	sshll.u32 s0, $0x1  }
0x3: {  	s9 =	rddreg [dreg:$0x0];
	s10 =	sor.u32 s17, s26  }
0x4: {  	s16 =	rddreg [dreg:$0x1];
	s18 =	smul.u32 $0x7D0, s10  }
0x5: {  	s2 =	simm.s32 $0x0;
	s1 =	rddreg [dreg:$0x2]  }
0x6: {  	[smem:$0x7FF] =	sst s2;
	s3 =	sshrl.u32 s18, $0x3  }
0x7: {  	_ =	strace $0x80000047;
	s4 =	sadd.s32 s16, s3;
	s3 =	simm.s32 $0x2  }
0x8: {  	[tilespmem:s2], [sflag:$0x2] =	stream.linear.gather [hbm4b:s4+s2], $0x190, $0x38;
	[tilespmem:$0xCA00] =	vst v63  }
0x9: {  	_ =	swait.ge [sflag:s3], $0x190  }
0xa: {  	s6 =	simm.s32 $0x190;
	s7 =	simm.s32 $0x200;
	[sflag:s3] =	ssyncset.done $0x0  }
0xb: {  	s8 =	simm.s32 $0x1;
	s5 =	sadd.s32 $0x61B000, s9;
	[sflag:s3] =	ssyncadd.s32 $0xFFFFFE70  }
0xc: {  	[tilespmem:s7], [sflag:$0x1] =	stream.indirect.gather [hbm4b:s5+s6], $0x80, s2, s6, $0xb8;
	[tilespmem:$0xCA00] =	vst v63  }
0xd: {  	s10 =	smul.u32 $0x7D00, s10;
	_ =	swait.ge [sflag:s8], $0xC800  }
0xe: {  	s19 =	sadd.s32 $0x800, s9;
	[sflag:s8] =	ssyncset.done $0x0  }
0xf: {  	s9 =	sadd.s32 s19, s10;
	[sflag:s8] =	ssyncadd.s32 $0xFFFF3800  }
0x10: {  	[hbm4b:s9+s2] =	stream.linear.scatter [tilespmem:s7], [sflag:$0x2], $0xC800, $0x38;
	[tilespmem:$0xCA00] =	vst v63  }
0x11: {  	s11 =	sadd.s32 $0x190, s18;
	_ =	swait.ge [sflag:s3], $0xC800  }
0x12: {  	s28 =	sshrl.u32 s11, $0x3;
	[sflag:s3] =	ssyncset.done $0x0  }
0x13: {  	s10 =	sadd.s32 s16, s28;
	[sflag:s3] =	ssyncadd.s32 $0xFFFF3800  }
0x14: {  	[tilespmem:s2], [sflag:$0x2] =	stream.linear.gather [hbm4b:s10+s2], $0x190, $0x38;
	[tilespmem:$0xCA00] =	vst v63  }
0x15: {  	_ =	swait.ge [sflag:s3], $0x190  }
0x16: {  	[sflag:s3] =	ssyncset.done $0x0  }
0x17: {  	[sflag:s3] =	ssyncadd.s32 $0xFFFFFE70  }
0x18: {  	[tilespmem:s7], [sflag:$0x1] =	stream.indirect.gather [hbm4b:s5+s6], $0x80, s2, s6, $0xb8;
	[tilespmem:$0xCA00] =	vst v63  }
0x19: {  	_ =	swait.ge [sflag:s8], $0xC800  }
0x1a: {  	s11 =	sshll.u32 s11, $0x4;
	[sflag:s8] =	ssyncset.done $0x0  }
0x1b: {  	s11 =	sadd.s32 s19, s11;
	[sflag:s8] =	ssyncadd.s32 $0xFFFF3800  }
0x1c: {  	[hbm4b:s11+s2] =	stream.linear.scatter [tilespmem:s7], [sflag:$0x2], $0xC800, $0x38;
	[tilespmem:$0xCA00] =	vst v63  }
0x1d: {  	s13 =	sadd.s32 $0x320, s18;
	_ =	swait.ge [sflag:s3], $0xC800  }
0x1e: {  	s12 =	sshrl.u32 s13, $0x3;
	[sflag:s3] =	ssyncset.done $0x0  }
0x1f: {  	s12 =	sadd.s32 s16, s12;
	[sflag:s3] =	ssyncadd.s32 $0xFFFF3800  }
0x20: {  	[tilespmem:s2], [sflag:$0x2] =	stream.linear.gather [hbm4b:s12+s2], $0x190, $0x38;
	[tilespmem:$0xCA00] =	vst v63  }
0x21: {  	_ =	swait.ge [sflag:s3], $0x190  }
0x22: {  	[sflag:s3] =	ssyncset.done $0x0  }
0x23: {  	[sflag:s3] =	ssyncadd.s32 $0xFFFFFE70  }
0x24: {  	[tilespmem:s7], [sflag:$0x1] =	stream.indirect.gather [hbm4b:s5+s6], $0x80, s2, s6, $0xb8;
	[tilespmem:$0xCA00] =	vst v63  }
0x25: {  	_ =	swait.ge [sflag:s8], $0xC800  }
0x26: {  	s13 =	sshll.u32 s13, $0x4;
	[sflag:s8] =	ssyncset.done $0x0  }
0x27: {  	s13 =	sadd.s32 s19, s13;
	[sflag:s8] =	ssyncadd.s32 $0xFFFF3800  }
0x28: {  	[hbm4b:s13+s2] =	stream.linear.scatter [tilespmem:s7], [sflag:$0x2], $0xC800, $0x38;
	[tilespmem:$0xCA00] =	vst v63  }
0x29: {  	s15 =	sadd.s32 $0x4B0, s18;
	_ =	swait.ge [sflag:s3], $0xC800  }
0x2a: {  	s14 =	sshrl.u32 s15, $0x3;
	[sflag:s3] =	ssyncset.done $0x0  }
0x2b: {  	s14 =	sadd.s32 s16, s14;
	[sflag:s3] =	ssyncadd.s32 $0xFFFF3800  }
0x2c: {  	[tilespmem:s2], [sflag:$0x2] =	stream.linear.gather [hbm4b:s14+s2], $0x190, $0x38;
	[tilespmem:$0xCA00] =	vst v63  }
0x2d: {  	_ =	swait.ge [sflag:s3], $0x190  }
0x2e: {  	[sflag:s3] =	ssyncset.done $0x0  }
0x2f: {  	[sflag:s3] =	ssyncadd.s32 $0xFFFFFE70  }
0x30: {  	[tilespmem:s7], [sflag:$0x1] =	stream.indirect.gather [hbm4b:s5+s6], $0x80, s2, s6, $0xb8;
	[tilespmem:$0xCA00] =	vst v63  }
0x31: {  	_ =	swait.ge [sflag:s8], $0xC800  }
0x32: {  	s15 =	sshll.u32 s15, $0x4;
	[sflag:s8] =	ssyncset.done $0x0  }
0x33: {  	s15 =	sadd.s32 s19, s15;
	[sflag:s8] =	ssyncadd.s32 $0xFFFF3800  }
0x34: {  	[hbm4b:s15+s2] =	stream.linear.scatter [tilespmem:s7], [sflag:$0x2], $0xC800, $0x38;
	[tilespmem:$0xCA00] =	vst v63  }
0x35: {  	s18 =	sadd.s32 $0x640, s18;
	_ =	swait.ge [sflag:s3], $0xC800  }
0x36: {  	s20 =	sshrl.u32 s18, $0x3;
	[sflag:s3] =	ssyncset.done $0x0  }
0x37: {  	s17 =	ssub.s32 $0x2, s17;
	s16 =	sadd.s32 s16, s20;
	[sflag:s3] =	ssyncadd.s32 $0xFFFF3800  }
0x38: {  	[tilespmem:s2], [sflag:$0x2] =	stream.linear.gather [hbm4b:s16+s2], $0x190, $0x38;
	[tilespmem:$0xCA00] =	vst v63  }
0x39: {  	s29 =	sshrl.u32 s17, $0x1;
	_ =	swait.ge [sflag:s3], $0x190  }
0x3a: {  	s20 =	ssub.s32 s17, s29;
	[sflag:s3] =	ssyncset.done $0x0  }
0x3b: {  	s31 =	smax.u32 s20, $0x1;
	[sflag:s3] =	ssyncadd.s32 $0xFFFFFE70  }
0x3c: {  	[tilespmem:s7], [sflag:$0x1] =	stream.indirect.gather [hbm4b:s5+s6], $0x80, s2, s6, $0xb8;
	[tilespmem:$0xCA00] =	vst v63  }
0x3d: {  	p0 =	sne.s32 s31, $0x1;
	_ =	swait.ge [sflag:s8], $0xC800  }
.Ltmp0:
0x3e: {  	s30 =	sshll.u32 s18, $0x4;
	[sflag:s8] =	ssyncset.done $0x0;
	(pc) =	sbr.rel @!p0 .LBB2_2-.Ltmp0, $4  }
0x3f: {  	s17 =	sadd.s32 s19, s30;
	[sflag:s8] =	ssyncadd.s32 $0xFFFF3800  }
0x40: {  	[hbm4b:s17+s2] =	stream.linear.scatter [tilespmem:s7], [sflag:$0x2], $0xC800, $0x38;
	[tilespmem:$0xCA00] =	vst v63  }
0x41: {  	_ =	swait.ge [sflag:s3], $0xC800  }
0x42: {  	s18 =	sadd.s32 $0xFFFFFFFF, s31;
	[sflag:s3] =	ssyncset.done $0x0  }
.LBB2_1:
0x43: {  	p0 =	sne.s32 s18, $0x1;
	s18 =	sadd.s32 $0xFFFFFFFF, s18;
	[sflag:s3] =	ssyncadd.s32 $0xFFFF3800  }
0x44: {  	[tilespmem:s2], [sflag:$0x2] =	stream.linear.gather [hbm4b:s4+s2], $0x190, $0x38;
	[tilespmem:$0xCA00] =	vst v63  }
0x45: {  	_ =	swait.ge [sflag:s3], $0x190  }
0x46: {  	[sflag:s3] =	ssyncset.done $0x0  }
0x47: {  	[sflag:s3] =	ssyncadd.s32 $0xFFFFFE70  }
0x48: {  	[tilespmem:s7], [sflag:$0x1] =	stream.indirect.gather [hbm4b:s5+s6], $0x80, s2, s6, $0xb8;
	[tilespmem:$0xCA00] =	vst v63  }
0x49: {  	_ =	swait.ge [sflag:s8], $0xC800  }
0x4a: {  	[sflag:s8] =	ssyncset.done $0x0  }
0x4b: {  	[sflag:s8] =	ssyncadd.s32 $0xFFFF3800  }
0x4c: {  	[hbm4b:s9+s2] =	stream.linear.scatter [tilespmem:s7], [sflag:$0x2], $0xC800, $0x38;
	[tilespmem:$0xCA00] =	vst v63  }
0x4d: {  	_ =	swait.ge [sflag:s3], $0xC800  }
0x4e: {  	[sflag:s3] =	ssyncset.done $0x0  }
0x4f: {  	[sflag:s3] =	ssyncadd.s32 $0xFFFF3800  }
0x50: {  	[tilespmem:s2], [sflag:$0x2] =	stream.linear.gather [hbm4b:s10+s2], $0x190, $0x38;
	[tilespmem:$0xCA00] =	vst v63  }
0x51: {  	_ =	swait.ge [sflag:s3], $0x190  }
0x52: {  	[sflag:s3] =	ssyncset.done $0x0  }
0x53: {  	[sflag:s3] =	ssyncadd.s32 $0xFFFFFE70  }
0x54: {  	[tilespmem:s7], [sflag:$0x1] =	stream.indirect.gather [hbm4b:s5+s6], $0x80, s2, s6, $0xb8;
	[tilespmem:$0xCA00] =	vst v63  }
0x55: {  	_ =	swait.ge [sflag:s8], $0xC800  }
0x56: {  	[sflag:s8] =	ssyncset.done $0x0  }
0x57: {  	[sflag:s8] =	ssyncadd.s32 $0xFFFF3800  }
0x58: {  	[hbm4b:s11+s2] =	stream.linear.scatter [tilespmem:s7], [sflag:$0x2], $0xC800, $0x38;
	[tilespmem:$0xCA00] =	vst v63  }
0x59: {  	_ =	swait.ge [sflag:s3], $0xC800  }
0x5a: {  	[sflag:s3] =	ssyncset.done $0x0  }
0x5b: {  	[sflag:s3] =	ssyncadd.s32 $0xFFFF3800  }
0x5c: {  	[tilespmem:s2], [sflag:$0x2] =	stream.linear.gather [hbm4b:s12+s2], $0x190, $0x38;
	[tilespmem:$0xCA00] =	vst v63  }
0x5d: {  	_ =	swait.ge [sflag:s3], $0x190  }
0x5e: {  	[sflag:s3] =	ssyncset.done $0x0  }
0x5f: {  	[sflag:s3] =	ssyncadd.s32 $0xFFFFFE70  }
0x60: {  	[tilespmem:s7], [sflag:$0x1] =	stream.indirect.gather [hbm4b:s5+s6], $0x80, s2, s6, $0xb8;
	[tilespmem:$0xCA00] =	vst v63  }
0x61: {  	_ =	swait.ge [sflag:s8], $0xC800  }
0x62: {  	[sflag:s8] =	ssyncset.done $0x0  }
0x63: {  	[sflag:s8] =	ssyncadd.s32 $0xFFFF3800  }
0x64: {  	[hbm4b:s13+s2] =	stream.linear.scatter [tilespmem:s7], [sflag:$0x2], $0xC800, $0x38;
	[tilespmem:$0xCA00] =	vst v63  }
0x65: {  	_ =	swait.ge [sflag:s3], $0xC800  }
0x66: {  	[sflag:s3] =	ssyncset.done $0x0  }
0x67: {  	[sflag:s3] =	ssyncadd.s32 $0xFFFF3800  }
0x68: {  	[tilespmem:s2], [sflag:$0x2] =	stream.linear.gather [hbm4b:s14+s2], $0x190, $0x38;
	[tilespmem:$0xCA00] =	vst v63  }
0x69: {  	_ =	swait.ge [sflag:s3], $0x190  }
0x6a: {  	[sflag:s3] =	ssyncset.done $0x0  }
0x6b: {  	[sflag:s3] =	ssyncadd.s32 $0xFFFFFE70  }
0x6c: {  	[tilespmem:s7], [sflag:$0x1] =	stream.indirect.gather [hbm4b:s5+s6], $0x80, s2, s6, $0xb8;
	[tilespmem:$0xCA00] =	vst v63  }
0x6d: {  	_ =	swait.ge [sflag:s8], $0xC800  }
0x6e: {  	[sflag:s8] =	ssyncset.done $0x0  }
0x6f: {  	[sflag:s8] =	ssyncadd.s32 $0xFFFF3800  }
0x70: {  	[hbm4b:s15+s2] =	stream.linear.scatter [tilespmem:s7], [sflag:$0x2], $0xC800, $0x38;
	[tilespmem:$0xCA00] =	vst v63  }
0x71: {  	_ =	swait.ge [sflag:s3], $0xC800  }
0x72: {  	[sflag:s3] =	ssyncset.done $0x0  }
0x73: {  	[sflag:s3] =	ssyncadd.s32 $0xFFFF3800  }
0x74: {  	[tilespmem:s2], [sflag:$0x2] =	stream.linear.gather [hbm4b:s16+s2], $0x190, $0x38;
	[tilespmem:$0xCA00] =	vst v63  }
0x75: {  	_ =	swait.ge [sflag:s3], $0x190  }
0x76: {  	[sflag:s3] =	ssyncset.done $0x0  }
0x77: {  	[sflag:s3] =	ssyncadd.s32 $0xFFFFFE70  }
0x78: {  	[tilespmem:s7], [sflag:$0x1] =	stream.indirect.gather [hbm4b:s5+s6], $0x80, s2, s6, $0xb8;
	[tilespmem:$0xCA00] =	vst v63  }
0x79: {  	_ =	swait.ge [sflag:s8], $0xC800  }
.Ltmp1:
0x7a: {  	[sflag:s8] =	ssyncset.done $0x0;
	(pc) =	sbr.rel @p0 .LBB2_1-.Ltmp1, $4  }
0x7b: {  	[sflag:s8] =	ssyncadd.s32 $0xFFFF3800  }
0x7c: {  	[hbm4b:s17+s2] =	stream.linear.scatter [tilespmem:s7], [sflag:$0x2], $0xC800, $0x38;
	[tilespmem:$0xCA00] =	vst v63  }
0x7d: {  	_ =	swait.ge [sflag:s3], $0xC800  }
0x7e: {  	[sflag:s3] =	ssyncset.done $0x0  }
.LBB2_2:
0x7f: {  	[sflag:s3] =	ssyncadd.s32 $0xFFFF3800  }
0x80: {  	_ =	sfence.sel $0x180000  }
0x81: {  	[bflag:$0x0] =	sbarrier.arrive $0xFFFF  }
0x82: {  	p0 =	sne.s32 s0, $0x0;
	_ =	strace $0x90000047  }
0x83: {  	s0 =	sadd.s32 @!p0 $0x100000, s1;
	[bflag:$0x2] =	sbarrier.arrive $0xFFFF  }
0x84: {  	[sflag:s0] =	ssyncadd.tile.s32 @!p0 $0x1;
	_ =	shalt  }
.Lfunc_end2:
_tile_overlayer_lowered:
.L_overlay_start_2:
0x85: {  	(tag) =	ssettag $0x2  }
0x86: {  	s0 =	rddreg [dreg:$0x0];
	s2 =	stileid.u32  }
0x87: {  	s1 =	rddreg [dreg:$0x1];
	p0 =	sne.s32 s2, $0x0  }
0x88: {  	s3 =	rddreg [dreg:$0x2];
	[bflag:$0x3] =	sbarrier.arrive $0xFFFF;
	s2 =	simm.s32 @!p0 $0x1C02  }
0x89: {  	[timem:s3], [sflag:s2] =	dma.local @!p0 [hbm:s0], s1  }
0x8a: {  	s0 =	simm.s32 @!p0 $0x2  }
0x8b: {  	_ =	swait.ge @!p0 [sflag:s0], s1  }
0x8c: {  	s1 =	ssub.s32 @!p0 $0x0, s1;
	[sflag:s0] =	ssyncset.done @!p0 $0x0  }
0x8d: {  	[sflag:s0] =	ssyncadd.s32 @!p0 s1  }
0x8e: {  	[bflag:$0x3] =	sbarrier.arrive $0xFFFF  }
0x8f: {  	_ =	shalt  }

</sc_bundles>
